<compile_context>
chip_gen: v7x
topology: tpu7x:2x2x1
jax: 0.10.2.dev20260603
libtpu: 0.0.44.dev20260713+nightly
codegen_flags: <defaults>
</compile_context>

<pallas_src>
import functools

import jax
import jax.numpy as jnp
from jax import lax
from jax.experimental import pallas as pl
from jax.experimental.pallas import tpu as pltpu
from jax.experimental.pallas import tpu_sc as plsc

NUM_CORES = 2
NUM_SUBCORES = 16
NUM_WORKERS = NUM_CORES * NUM_SUBCORES
CHUNK = 256
DMA_IDX = 128
LANES = 16


@functools.lru_cache(maxsize=None)
def _build_sc_gather(B, D, b_per_w):
    n_chunks = b_per_w // CHUNK
    mesh = plsc.VectorSubcoreMesh(core_axis_name="c", subcore_axis_name="s")

    @functools.partial(
        pl.kernel,
        mesh=mesh,
        out_type=jax.ShapeDtypeStruct((B, D), jnp.float32),
        scratch_types=[
            pltpu.VMEM((b_per_w,), jnp.int32),
            pltpu.VMEM((D,), jnp.float32),
            pltpu.VMEM((CHUNK, D), jnp.float32),
            pltpu.SemaphoreType.DMA,
        ],
    )
    def k(idx_hbm, table_hbm, mask_hbm, out_hbm, idx_v, mask_v, rows_v, sem):
        wid = lax.axis_index("s") * NUM_CORES + lax.axis_index("c")
        base = pl.multiple_of(wid * b_per_w, 8)
        pltpu.sync_copy(idx_hbm.at[pl.ds(base, b_per_w)], idx_v)
        pltpu.sync_copy(mask_hbm, mask_v)
        mvs = [mask_v[pl.ds(h * LANES, LANES)] for h in range(D // LANES)]

        def chunk_body(c, carry):
            off = pl.multiple_of(c * CHUNK, 8)
            copies = []
            for j in range(CHUNK // DMA_IDX):
                copies.append(pltpu.async_copy(
                    table_hbm.at[idx_v.at[pl.ds(off + j * DMA_IDX, DMA_IDX)]],
                    rows_v.at[pl.ds(j * DMA_IDX, DMA_IDX)],
                    sem,
                ))
            for cp in copies:
                cp.wait()

            def row_body(r, rcarry):
                for h in range(D // LANES):
                    sl = pl.ds(h * LANES, LANES)
                    rows_v[r, sl] = rows_v[r, sl] * mvs[h]
                return rcarry

            lax.fori_loop(0, CHUNK, row_body, 0, unroll=False)
            pltpu.sync_copy(rows_v, out_hbm.at[pl.ds(base + off, CHUNK)])
            return carry

        lax.fori_loop(0, n_chunks, chunk_body, 0, unroll=False)

    return k


def kernel(x, weight, band_mask):
    Bdim0, Bdim1 = x.shape
    B = Bdim0 * Bdim1
    D = weight.shape[1]
    b_per_w = B // NUM_WORKERS
    idx = x.reshape(B).astype(jnp.int32)
    out = _build_sc_gather(B, D, b_per_w)(idx, weight, band_mask)
    return out.reshape(Bdim0, Bdim1, D)

# --- scband reference (transcript-rebuilt; emitter-appended) ---
"""Pipeline reference for scband-harmonic-embedding-30571577213600 (READ-ONLY COPY).

The authoritative reference and input builder live on the scoring server;
editing this copy changes nothing except your own understanding.
"""

import math
import jax, jax.numpy as jnp
import numpy as np

NUM_EMBEDDINGS = 100000
EMBEDDING_DIM = 128


def _build_harmonic_weight(num_embeddings, embedding_dim):
    n_harmonics = embedding_dim // 2
    angles = jnp.arange(num_embeddings, dtype=jnp.float32) * (2.0 * math.pi / num_embeddings)
    harmonics = jnp.arange(1, n_harmonics + 1, dtype=jnp.float32)
    phase_matrix = angles[:, None] * harmonics[None, :]
    embedding = jnp.zeros((num_embeddings, embedding_dim), dtype=jnp.float32)
    embedding = embedding.at[:, 0::2].set(jnp.cos(phase_matrix))
    embedding = embedding.at[:, 1::2].set(jnp.sin(phase_matrix))
    embedding = embedding * (1.0 / math.sqrt(n_harmonics))
    return embedding


def setup_inputs(seed: int = 0) -> dict:
    key = jax.random.key(seed)
    k_idx, _ = jax.random.split(key)
    x = jax.random.randint(k_idx, (4096, 50), 0, NUM_EMBEDDINGS, dtype=jnp.int64 if jax.config.read('jax_enable_x64') else jnp.int32)
    weight = _build_harmonic_weight(NUM_EMBEDDINGS, EMBEDDING_DIM)
    band_mask = jnp.ones((EMBEDDING_DIM,), dtype=jnp.float32)
    return {"x": x, "weight": weight, "band_mask": band_mask}


def reference(x, weight, band_mask):
    masked_weight = weight * band_mask[None, :]
    out = jnp.take(masked_weight, x, axis=0)
    return out

if __name__ == "__main__":
    import jax
    _d = setup_inputs()
    print(jax.jit(kernel)(*tuple(_d.values())))

</pallas_src>

<mosaic_0001>
#map = affine_map<(d0, d1) -> (0)>
#map1 = affine_map<(d0, d1) -> (0, 0)>
module attributes {stable_mosaic.version = 14 : i64} {
  func.func @k(%arg0: i32, %arg1: i32, %arg2: memref<204800xi32, #tpu.memory_space<hbm>>, %arg3: memref<100000x128xf32, #tpu.memory_space<hbm>>, %arg4: memref<128xf32, #tpu.memory_space<hbm>>, %arg5: memref<204800x128xf32, #tpu.memory_space<hbm>>, %arg6: memref<6400xi32, #tpu.memory_space<vmem>>, %arg7: memref<128xf32, #tpu.memory_space<vmem>>, %arg8: memref<256x128xf32, #tpu.memory_space<vmem>>, %arg9: memref<!tpu.dma_semaphore, #tpu.memory_space<semaphore_mem>>) attributes {dimension_semantics = [#tpu.dimension_semantics<core_parallel>, #tpu.dimension_semantics<subcore_parallel>], iteration_bounds = array<i64: 2, 16>, scalar_prefetch = 0 : i64, scratch_operands = 4 : i64, tpu.core_type = #tpu.core_type<sc_vector_subcore>, window_params = [{transform_indices = #map}, {transform_indices = #map1}, {transform_indices = #map}, {transform_indices = #map1}]} {
    %mul3A = arith.constant 2 : i32
    %mul3A_0 = arith.muli %arg1, %mul3A : i32
    %add3A = arith.addi %mul3A_0, %arg0 : i32
    %mul3A_1 = arith.constant 6400 : i32
    %mul3A_2 = arith.muli %add3A, %mul3A_1 : i32
    %multiple_of3A = tpu.assume_multiple %mul3A_2, 8 : i32
    "tpu.region"() ({
      %run_scoped3A = tpu.sem_alloc : memref<!tpu.dma_semaphore, #tpu.memory_space<semaphore_mem>>
      %dma_start3A = tpu.memref_slice %arg2[%multiple_of3A] : memref<204800xi32, #tpu.memory_space<hbm>> -> memref<6400xi32, #tpu.memory_space<hbm>>
      %dma_start3A_31 = tpu.memref_slice %arg2[%multiple_of3A] : memref<204800xi32, #tpu.memory_space<hbm>> -> memref<6400xi32, #tpu.memory_space<hbm>>
      tpu.enqueue_dma source(%dma_start3A_31 : memref<6400xi32, #tpu.memory_space<hbm>>) target(%arg6 : memref<6400xi32, #tpu.memory_space<vmem>>) target_semaphore(%run_scoped3A : memref<!tpu.dma_semaphore, #tpu.memory_space<semaphore_mem>>)
      %dma_wait3A = tpu.memref_slice %arg2[%multiple_of3A] : memref<204800xi32, #tpu.memory_space<hbm>> -> memref<6400xi32, #tpu.memory_space<hbm>>
      %dma_wait3A_32 = tpu.memref_slice %arg2[%multiple_of3A] : memref<204800xi32, #tpu.memory_space<hbm>> -> memref<6400xi32, #tpu.memory_space<hbm>>
      tpu.wait_dma2 semaphore(%run_scoped3A : memref<!tpu.dma_semaphore, #tpu.memory_space<semaphore_mem>>) src(%dma_wait3A_32 : memref<6400xi32, #tpu.memory_space<hbm>>) dst(%arg6 : memref<6400xi32, #tpu.memory_space<vmem>>)
      tpu.yield
    }) : () -> ()
    "tpu.region"() ({
      %run_scoped3A = tpu.sem_alloc : memref<!tpu.dma_semaphore, #tpu.memory_space<semaphore_mem>>
      tpu.enqueue_dma source(%arg4 : memref<128xf32, #tpu.memory_space<hbm>>) target(%arg7 : memref<128xf32, #tpu.memory_space<vmem>>) target_semaphore(%run_scoped3A : memref<!tpu.dma_semaphore, #tpu.memory_space<semaphore_mem>>)
      tpu.wait_dma2 semaphore(%run_scoped3A : memref<!tpu.dma_semaphore, #tpu.memory_space<semaphore_mem>>) src(%arg4 : memref<128xf32, #tpu.memory_space<hbm>>) dst(%arg7 : memref<128xf32, #tpu.memory_space<vmem>>)
      tpu.yield
    }) : () -> ()
    %get3A = arith.constant 0 : index
    %get3A_3 = tpu.vector_load %arg7[%get3A] {strides = array<i32>} : memref<128xf32, #tpu.memory_space<vmem>>, vector<16xf32>,
    %get3A_4 = vector.shape_cast %get3A_3 : vector<16xf32> to vector<16xf32>
    %get3A_5 = arith.constant 16 : index
    %get3A_6 = tpu.vector_load %arg7[%get3A_5] {strides = array<i32>} : memref<128xf32, #tpu.memory_space<vmem>>, vector<16xf32>,
    %get3A_7 = vector.shape_cast %get3A_6 : vector<16xf32> to vector<16xf32>
    %get3A_8 = arith.constant 32 : index
    %get3A_9 = tpu.vector_load %arg7[%get3A_8] {strides = array<i32>} : memref<128xf32, #tpu.memory_space<vmem>>, vector<16xf32>,
    %get3A_10 = vector.shape_cast %get3A_9 : vector<16xf32> to vector<16xf32>
    %get3A_11 = arith.constant 48 : index
    %get3A_12 = tpu.vector_load %arg7[%get3A_11] {strides = array<i32>} : memref<128xf32, #tpu.memory_space<vmem>>, vector<16xf32>,
    %get3A_13 = vector.shape_cast %get3A_12 : vector<16xf32> to vector<16xf32>
    %get3A_14 = arith.constant 64 : index
    %get3A_15 = tpu.vector_load %arg7[%get3A_14] {strides = array<i32>} : memref<128xf32, #tpu.memory_space<vmem>>, vector<16xf32>,
    %get3A_16 = vector.shape_cast %get3A_15 : vector<16xf32> to vector<16xf32>
    %get3A_17 = arith.constant 80 : index
    %get3A_18 = tpu.vector_load %arg7[%get3A_17] {strides = array<i32>} : memref<128xf32, #tpu.memory_space<vmem>>, vector<16xf32>,
    %get3A_19 = vector.shape_cast %get3A_18 : vector<16xf32> to vector<16xf32>
    %get3A_20 = arith.constant 96 : index
    %get3A_21 = tpu.vector_load %arg7[%get3A_20] {strides = array<i32>} : memref<128xf32, #tpu.memory_space<vmem>>, vector<16xf32>,
    %get3A_22 = vector.shape_cast %get3A_21 : vector<16xf32> to vector<16xf32>
    %get3A_23 = arith.constant 112 : index
    %get3A_24 = tpu.vector_load %arg7[%get3A_23] {strides = array<i32>} : memref<128xf32, #tpu.memory_space<vmem>>, vector<16xf32>,
    %get3A_25 = vector.shape_cast %get3A_24 : vector<16xf32> to vector<16xf32>
    %scan3A = arith.constant 0 : i32
    %scan3A_26 = arith.constant 0 : i32
    %scan3A_27 = arith.constant 25 : i32
    %scan3A_28 = arith.addi %scan3A_26, %scan3A_27 : i32
    %scan3A_29 = arith.constant 1 : i32
    scf.for %scan3A_31 = %scan3A_26 to %scan3A_28 step %scan3A_29  : i32 {
      %mul3A_32 = arith.constant 256 : i32
      %mul3A_33 = arith.muli %scan3A_31, %mul3A_32 : i32
      %multiple_of3A_34 = tpu.assume_multiple %mul3A_33, 8 : i32
      %add3A_35 = arith.constant 0 : i32
      %add3A_36 = arith.addi %multiple_of3A_34, %add3A_35 : i32
      %dma_start3A = arith.constant 0 : i32
      %dma_start3A_37 = arith.constant 0 : i32
      %dma_start3A_38 = tpu.memref_slice %arg8[%dma_start3A, %dma_start3A_37] : memref<256x128xf32, #tpu.memory_space<vmem>> -> memref<128x128xf32, #tpu.memory_space<vmem>>
      %dma_start3A_39 = tpu.memref_slice %arg6[%add3A_36] : memref<6400xi32, #tpu.memory_space<vmem>> -> memref<128xi32, #tpu.memory_space<vmem>>
      %dma_start3A_40 = arith.constant 0 : i32
      %dma_start3A_41 = arith.constant 0 : i32
      %dma_start3A_42 = tpu.memref_slice %arg3[%dma_start3A_40, %dma_start3A_41] : memref<100000x128xf32, #tpu.memory_space<hbm>> -> memref<100000x128xf32, #tpu.memory_space<hbm>>
      tpu.enqueue_indirect_dma source(%dma_start3A_42 : memref<100000x128xf32, #tpu.memory_space<hbm>>) target(%dma_start3A_38 : memref<128x128xf32, #tpu.memory_space<vmem>>) offsets(%dma_start3A_39 : memref<128xi32, #tpu.memory_space<vmem>>) semaphore(%arg9 : memref<!tpu.dma_semaphore, #tpu.memory_space<semaphore_mem>>)
      %add3A_43 = arith.constant 128 : i32
      %add3A_44 = arith.addi %multiple_of3A_34, %add3A_43 : i32
      %dma_start3A_45 = arith.constant 128 : i32
      %dma_start3A_46 = arith.constant 0 : i32
      %dma_start3A_47 = tpu.memref_slice %arg8[%dma_start3A_45, %dma_start3A_46] : memref<256x128xf32, #tpu.memory_space<vmem>> -> memref<128x128xf32, #tpu.memory_space<vmem>>
      %dma_start3A_48 = tpu.memref_slice %arg6[%add3A_44] : memref<6400xi32, #tpu.memory_space<vmem>> -> memref<128xi32, #tpu.memory_space<vmem>>
      %dma_start3A_49 = arith.constant 0 : i32
      %dma_start3A_50 = arith.constant 0 : i32
      %dma_start3A_51 = tpu.memref_slice %arg3[%dma_start3A_49, %dma_start3A_50] : memref<100000x128xf32, #tpu.memory_space<hbm>> -> memref<100000x128xf32, #tpu.memory_space<hbm>>
      tpu.enqueue_indirect_dma source(%dma_start3A_51 : memref<100000x128xf32, #tpu.memory_space<hbm>>) target(%dma_start3A_47 : memref<128x128xf32, #tpu.memory_space<vmem>>) offsets(%dma_start3A_48 : memref<128xi32, #tpu.memory_space<vmem>>) semaphore(%arg9 : memref<!tpu.dma_semaphore, #tpu.memory_space<semaphore_mem>>)
      %dma_wait3A = arith.constant 0 : i32
      %dma_wait3A_52 = arith.constant 0 : i32
      %dma_wait3A_53 = tpu.memref_slice %arg8[%dma_wait3A, %dma_wait3A_52] : memref<256x128xf32, #tpu.memory_space<vmem>> -> memref<128x128xf32, #tpu.memory_space<vmem>>
      %dma_wait3A_54 = tpu.memref_slice %arg6[%add3A_36] : memref<6400xi32, #tpu.memory_space<vmem>> -> memref<128xi32, #tpu.memory_space<vmem>>
      %dma_wait3A_55 = arith.constant 0 : i32
      %dma_wait3A_56 = arith.constant 0 : i32
      %dma_wait3A_57 = tpu.memref_slice %arg3[%dma_wait3A_55, %dma_wait3A_56] : memref<100000x128xf32, #tpu.memory_space<hbm>> -> memref<100000x128xf32, #tpu.memory_space<hbm>>
      tpu.wait_indirect_dma semaphore(%arg9 : memref<!tpu.dma_semaphore, #tpu.memory_space<semaphore_mem>>) src(%dma_wait3A_57 : memref<100000x128xf32, #tpu.memory_space<hbm>>) dst(%dma_wait3A_53 : memref<128x128xf32, #tpu.memory_space<vmem>>)
      %dma_wait3A_58 = arith.constant 128 : i32
      %dma_wait3A_59 = arith.constant 0 : i32
      %dma_wait3A_60 = tpu.memref_slice %arg8[%dma_wait3A_58, %dma_wait3A_59] : memref<256x128xf32, #tpu.memory_space<vmem>> -> memref<128x128xf32, #tpu.memory_space<vmem>>
      %dma_wait3A_61 = tpu.memref_slice %arg6[%add3A_44] : memref<6400xi32, #tpu.memory_space<vmem>> -> memref<128xi32, #tpu.memory_space<vmem>>
      %dma_wait3A_62 = arith.constant 0 : i32
      %dma_wait3A_63 = arith.constant 0 : i32
      %dma_wait3A_64 = tpu.memref_slice %arg3[%dma_wait3A_62, %dma_wait3A_63] : memref<100000x128xf32, #tpu.memory_space<hbm>> -> memref<100000x128xf32, #tpu.memory_space<hbm>>
      tpu.wait_indirect_dma semaphore(%arg9 : memref<!tpu.dma_semaphore, #tpu.memory_space<semaphore_mem>>) src(%dma_wait3A_64 : memref<100000x128xf32, #tpu.memory_space<hbm>>) dst(%dma_wait3A_60 : memref<128x128xf32, #tpu.memory_space<vmem>>)
      %scan3A_65 = arith.constant 0 : i32
      %scan3A_66 = arith.constant 0 : i32
      %scan3A_67 = arith.constant 256 : i32
      %scan3A_68 = arith.addi %scan3A_66, %scan3A_67 : i32
      %scan3A_69 = arith.constant 1 : i32
      scf.for %scan3A_72 = %scan3A_66 to %scan3A_68 step %scan3A_69  : i32 {
        %get3A_73 = arith.index_cast %scan3A_72 : i32 to index
        %get3A_74 = arith.constant 0 : index
        %get3A_75 = tpu.vector_load %arg8[%get3A_73, %get3A_74] {strides = array<i32>} : memref<256x128xf32, #tpu.memory_space<vmem>>, vector<1x16xf32>,
        %get3A_76 = vector.shape_cast %get3A_75 : vector<1x16xf32> to vector<16xf32>
        %mul3A_77 = arith.mulf %get3A_76, %get3A_4 : vector<16xf32>
        %swap3A = arith.index_cast %scan3A_72 : i32 to index
        %swap3A_78 = arith.constant 0 : index
        %swap3A_79 = tpu.vector_load %arg8[%swap3A, %swap3A_78] {strides = array<i32>} : memref<256x128xf32, #tpu.memory_space<vmem>>, vector<1x16xf32>,
        %swap3A_80 = vector.shape_cast %swap3A_79 : vector<1x16xf32> to vector<16xf32>
        %swap3A_81 = vector.shape_cast %mul3A_77 : vector<16xf32> to vector<1x16xf32>
        tpu.vector_store %arg8[%swap3A, %swap3A_78], %swap3A_81 {strides = array<i32>} : memref<256x128xf32, #tpu.memory_space<vmem>>, vector<1x16xf32>,
        %get3A_82 = arith.index_cast %scan3A_72 : i32 to index
        %get3A_83 = arith.constant 16 : index
        %get3A_84 = tpu.vector_load %arg8[%get3A_82, %get3A_83] {strides = array<i32>} : memref<256x128xf32, #tpu.memory_space<vmem>>, vector<1x16xf32>,
        %get3A_85 = vector.shape_cast %get3A_84 : vector<1x16xf32> to vector<16xf32>
        %mul3A_86 = arith.mulf %get3A_85, %get3A_7 : vector<16xf32>
        %swap3A_87 = arith.index_cast %scan3A_72 : i32 to index
        %swap3A_88 = arith.constant 16 : index
        %swap3A_89 = tpu.vector_load %arg8[%swap3A_87, %swap3A_88] {strides = array<i32>} : memref<256x128xf32, #tpu.memory_space<vmem>>, vector<1x16xf32>,
        %swap3A_90 = vector.shape_cast %swap3A_89 : vector<1x16xf32> to vector<16xf32>
        %swap3A_91 = vector.shape_cast %mul3A_86 : vector<16xf32> to vector<1x16xf32>
        tpu.vector_store %arg8[%swap3A_87, %swap3A_88], %swap3A_91 {strides = array<i32>} : memref<256x128xf32, #tpu.memory_space<vmem>>, vector<1x16xf32>,
        %get3A_92 = arith.index_cast %scan3A_72 : i32 to index
        %get3A_93 = arith.constant 32 : index
        %get3A_94 = tpu.vector_load %arg8[%get3A_92, %get3A_93] {strides = array<i32>} : memref<256x128xf32, #tpu.memory_space<vmem>>, vector<1x16xf32>,
        %get3A_95 = vector.shape_cast %get3A_94 : vector<1x16xf32> to vector<16xf32>
        %mul3A_96 = arith.mulf %get3A_95, %get3A_10 : vector<16xf32>
        %swap3A_97 = arith.index_cast %scan3A_72 : i32 to index
        %swap3A_98 = arith.constant 32 : index
        %swap3A_99 = tpu.vector_load %arg8[%swap3A_97, %swap3A_98] {strides = array<i32>} : memref<256x128xf32, #tpu.memory_space<vmem>>, vector<1x16xf32>,
        %swap3A_100 = vector.shape_cast %swap3A_99 : vector<1x16xf32> to vector<16xf32>
        %swap3A_101 = vector.shape_cast %mul3A_96 : vector<16xf32> to vector<1x16xf32>
        tpu.vector_store %arg8[%swap3A_97, %swap3A_98], %swap3A_101 {strides = array<i32>} : memref<256x128xf32, #tpu.memory_space<vmem>>, vector<1x16xf32>,
        %get3A_102 = arith.index_cast %scan3A_72 : i32 to index
        %get3A_103 = arith.constant 48 : index
        %get3A_104 = tpu.vector_load %arg8[%get3A_102, %get3A_103] {strides = array<i32>} : memref<256x128xf32, #tpu.memory_space<vmem>>, vector<1x16xf32>,
        %get3A_105 = vector.shape_cast %get3A_104 : vector<1x16xf32> to vector<16xf32>
        %mul3A_106 = arith.mulf %get3A_105, %get3A_13 : vector<16xf32>
        %swap3A_107 = arith.index_cast %scan3A_72 : i32 to index
        %swap3A_108 = arith.constant 48 : index
        %swap3A_109 = tpu.vector_load %arg8[%swap3A_107, %swap3A_108] {strides = array<i32>} : memref<256x128xf32, #tpu.memory_space<vmem>>, vector<1x16xf32>,
        %swap3A_110 = vector.shape_cast %swap3A_109 : vector<1x16xf32> to vector<16xf32>
        %swap3A_111 = vector.shape_cast %mul3A_106 : vector<16xf32> to vector<1x16xf32>
        tpu.vector_store %arg8[%swap3A_107, %swap3A_108], %swap3A_111 {strides = array<i32>} : memref<256x128xf32, #tpu.memory_space<vmem>>, vector<1x16xf32>,
        %get3A_112 = arith.index_cast %scan3A_72 : i32 to index
        %get3A_113 = arith.constant 64 : index
        %get3A_114 = tpu.vector_load %arg8[%get3A_112, %get3A_113] {strides = array<i32>} : memref<256x128xf32, #tpu.memory_space<vmem>>, vector<1x16xf32>,
        %get3A_115 = vector.shape_cast %get3A_114 : vector<1x16xf32> to vector<16xf32>
        %mul3A_116 = arith.mulf %get3A_115, %get3A_16 : vector<16xf32>
        %swap3A_117 = arith.index_cast %scan3A_72 : i32 to index
        %swap3A_118 = arith.constant 64 : index
        %swap3A_119 = tpu.vector_load %arg8[%swap3A_117, %swap3A_118] {strides = array<i32>} : memref<256x128xf32, #tpu.memory_space<vmem>>, vector<1x16xf32>,
        %swap3A_120 = vector.shape_cast %swap3A_119 : vector<1x16xf32> to vector<16xf32>
        %swap3A_121 = vector.shape_cast %mul3A_116 : vector<16xf32> to vector<1x16xf32>
        tpu.vector_store %arg8[%swap3A_117, %swap3A_118], %swap3A_121 {strides = array<i32>} : memref<256x128xf32, #tpu.memory_space<vmem>>, vector<1x16xf32>,
        %get3A_122 = arith.index_cast %scan3A_72 : i32 to index
        %get3A_123 = arith.constant 80 : index
        %get3A_124 = tpu.vector_load %arg8[%get3A_122, %get3A_123] {strides = array<i32>} : memref<256x128xf32, #tpu.memory_space<vmem>>, vector<1x16xf32>,
        %get3A_125 = vector.shape_cast %get3A_124 : vector<1x16xf32> to vector<16xf32>
        %mul3A_126 = arith.mulf %get3A_125, %get3A_19 : vector<16xf32>
        %swap3A_127 = arith.index_cast %scan3A_72 : i32 to index
        %swap3A_128 = arith.constant 80 : index
        %swap3A_129 = tpu.vector_load %arg8[%swap3A_127, %swap3A_128] {strides = array<i32>} : memref<256x128xf32, #tpu.memory_space<vmem>>, vector<1x16xf32>,
        %swap3A_130 = vector.shape_cast %swap3A_129 : vector<1x16xf32> to vector<16xf32>
        %swap3A_131 = vector.shape_cast %mul3A_126 : vector<16xf32> to vector<1x16xf32>
        tpu.vector_store %arg8[%swap3A_127, %swap3A_128], %swap3A_131 {strides = array<i32>} : memref<256x128xf32, #tpu.memory_space<vmem>>, vector<1x16xf32>,
        %get3A_132 = arith.index_cast %scan3A_72 : i32 to index
        %get3A_133 = arith.constant 96 : index
        %get3A_134 = tpu.vector_load %arg8[%get3A_132, %get3A_133] {strides = array<i32>} : memref<256x128xf32, #tpu.memory_space<vmem>>, vector<1x16xf32>,
        %get3A_135 = vector.shape_cast %get3A_134 : vector<1x16xf32> to vector<16xf32>
        %mul3A_136 = arith.mulf %get3A_135, %get3A_22 : vector<16xf32>
        %swap3A_137 = arith.index_cast %scan3A_72 : i32 to index
        %swap3A_138 = arith.constant 96 : index
        %swap3A_139 = tpu.vector_load %arg8[%swap3A_137, %swap3A_138] {strides = array<i32>} : memref<256x128xf32, #tpu.memory_space<vmem>>, vector<1x16xf32>,
        %swap3A_140 = vector.shape_cast %swap3A_139 : vector<1x16xf32> to vector<16xf32>
        %swap3A_141 = vector.shape_cast %mul3A_136 : vector<16xf32> to vector<1x16xf32>
        tpu.vector_store %arg8[%swap3A_137, %swap3A_138], %swap3A_141 {strides = array<i32>} : memref<256x128xf32, #tpu.memory_space<vmem>>, vector<1x16xf32>,
        %get3A_142 = arith.index_cast %scan3A_72 : i32 to index
        %get3A_143 = arith.constant 112 : index
        %get3A_144 = tpu.vector_load %arg8[%get3A_142, %get3A_143] {strides = array<i32>} : memref<256x128xf32, #tpu.memory_space<vmem>>, vector<1x16xf32>,
        %get3A_145 = vector.shape_cast %get3A_144 : vector<1x16xf32> to vector<16xf32>
        %mul3A_146 = arith.mulf %get3A_145, %get3A_25 : vector<16xf32>
        %swap3A_147 = arith.index_cast %scan3A_72 : i32 to index
        %swap3A_148 = arith.constant 112 : index
        %swap3A_149 = tpu.vector_load %arg8[%swap3A_147, %swap3A_148] {strides = array<i32>} : memref<256x128xf32, #tpu.memory_space<vmem>>, vector<1x16xf32>,
        %swap3A_150 = vector.shape_cast %swap3A_149 : vector<1x16xf32> to vector<16xf32>
        %swap3A_151 = vector.shape_cast %mul3A_146 : vector<16xf32> to vector<1x16xf32>
        tpu.vector_store %arg8[%swap3A_147, %swap3A_148], %swap3A_151 {strides = array<i32>} : memref<256x128xf32, #tpu.memory_space<vmem>>, vector<1x16xf32>,
      }
      %scan3A_70 = arith.constant 256 : i32
      %add3A_71 = arith.addi %multiple_of3A, %multiple_of3A_34 : i32
      "tpu.region"() ({
        %run_scoped3A = tpu.sem_alloc : memref<!tpu.dma_semaphore, #tpu.memory_space<semaphore_mem>>
        %dma_start3A_72 = arith.constant 0 : i32
        %dma_start3A_73 = tpu.memref_slice %arg5[%add3A_71, %dma_start3A_72] : memref<204800x128xf32, #tpu.memory_space<hbm>> -> memref<256x128xf32, #tpu.memory_space<hbm>>
        %dma_start3A_74 = arith.constant 0 : i32
        %dma_start3A_75 = tpu.memref_slice %arg5[%add3A_71, %dma_start3A_74] : memref<204800x128xf32, #tpu.memory_space<hbm>> -> memref<256x128xf32, #tpu.memory_space<hbm>>
        tpu.enqueue_dma source(%arg8 : memref<256x128xf32, #tpu.memory_space<vmem>>) target(%dma_start3A_75 : memref<256x128xf32, #tpu.memory_space<hbm>>) target_semaphore(%run_scoped3A : memref<!tpu.dma_semaphore, #tpu.memory_space<semaphore_mem>>)
        %dma_wait3A_76 = arith.constant 0 : i32
        %dma_wait3A_77 = tpu.memref_slice %arg5[%add3A_71, %dma_wait3A_76] : memref<204800x128xf32, #tpu.memory_space<hbm>> -> memref<256x128xf32, #tpu.memory_space<hbm>>
        %dma_wait3A_78 = arith.constant 0 : i32
        %dma_wait3A_79 = tpu.memref_slice %arg5[%add3A_71, %dma_wait3A_78] : memref<204800x128xf32, #tpu.memory_space<hbm>> -> memref<256x128xf32, #tpu.memory_space<hbm>>
        tpu.wait_dma2 semaphore(%run_scoped3A : memref<!tpu.dma_semaphore, #tpu.memory_space<semaphore_mem>>) src(%arg8 : memref<256x128xf32, #tpu.memory_space<vmem>>) dst(%dma_wait3A_79 : memref<256x128xf32, #tpu.memory_space<hbm>>)
        tpu.yield
      }) : () -> ()
    }
    %scan3A_30 = arith.constant 25 : i32
    return
  }
}

</mosaic_0001>

<sc_bundles>
// kernel: kernel.3.cloned.1.call-start
scs
__scs_entry_jumppad:
0x0: {  	(pc) =	sbr.rel $0x88, $3  }
0x1: {  	(tag) =	ssettag $0x0;
	lr =	simm.s32 $0x1  }
0x2: {  	[smem:$0x3F9E] =	sst lr;
	_ =	strace $0xD0000000  }
0x3: {  	_ = 	snop  }
0x4: {  	_ = 	snop  }
0x5: {  	_ = 	snop  }
0x6: {  	_ = 	snop  }
0x7: {  	_ = 	snop  }
__scs_overlays_trampoline_lowered:
0x8: {  	[smem:$0x3FAD] =	sst s0  }
0x9: {  	[smem:$0x3FAE] =	sst s1  }
0xa: {  	[smem:$0x3FAF] =	sst s2  }
0xb: {  	[smem:$0x3FB0] =	sst s3  }
0xc: {  	[smem:$0x3FB1] =	sst s4  }
0xd: {  	[smem:$0x3FB2] =	sst s5  }
0xe: {  	[smem:$0x3FB3] =	sst s6  }
0xf: {  	[smem:$0x3FB4] =	sst s7  }
0x10: {  	[smem:$0x3FB5] =	sst s8  }
0x11: {  	[smem:$0x3FB6] =	sst s9;
	s0 =	simm.s32 @!p0 $0x0  }
0x12: {  	s1 =	sld [smem:$0x3F9C];
	s0 =	simm.s32 @p0 $0x1  }
0x13: {  	[smem:$0x3FB7] =	sst s0;
	s0 =	simm.s32 @!p1 $0x0  }
0x14: {  	s2 =	sld [smem:$0x3F9B];
	s0 =	simm.s32 @p1 $0x1  }
0x15: {  	[smem:$0x3FB8] =	sst s0;
	s0 =	simm.s32 @!p2 $0x0  }
0x16: {  	s3 =	sld [smem:$0x3FDB];
	s0 =	simm.s32 @p2 $0x1  }
0x17: {  	s4 =	simm.s32 $0x1BF5;
	[smem:$0x3FBA] =	sst s0  }
0x18: {  	s0 =	sld [smem:$0x3F9D];
	_ =	swait.ge [sflag:s4], $0x0  }
0x19: {  	s7 =	sld [smem:$0x3F9E]  }
0x1a: {  	s8 =	sadd.s32 $0xFFFFE003, lr  }
0x1b: {  	s9 =	sadd.s32 $0xFFFFFEF7, lr;
	s5 =	simm.s32 $0xFFFFFFFF;
	p2 =	slt.u32 s8, $0xFFFFF086  }
0x1c: {  	p1 =	slt.u32 s9, $0xF7A;
	s5 =	simm.s32 @!p2 $0x0  }
0x1d: {  	s5 =	simm.s32 @p1 $0x1;
	p0 =	seq.s32 s7, s2  }
0x1e: {  	s7 =	smul.u32 @!p0 $0xF7A, s2;
	p2 =	seq.s32 @!p0 s5, $0x0  }
0x1f: {  	s9 =	smul.u32 $0xF7A, s1;
	s8 =	simm.s32 @!p0 $0x1BF5;
	p2 =	por !p2, p0  }
0x20: {  	[sflag:s8] =	ssyncset.s32 @!p0 $0xFFFFF086;
	s6 =	sadd.s32 @!p0 s3, s7;
	s7 =	simm.s32 @!p0 $0x108  }
0x21: {  	s3 =	sadd.s32 s3, s9;
	s6 =	sadd.s32 @!p0 $0x88, s6;
	s7 =	simm.s32 @p2 $0x1082  }
0x22: {  	[simem:s7], [sflag:s8] =	dma.local @!p0 [hbm:s6], $0xF7A  }
0x23: {  	s9 =	sor.u32 $0xD0000000, s2;
	s6 =	simm.s32 $0x108;
	_ =	swait.ge @!p0 [sflag:s8], $0x0  }
0x24: {  	s3 =	sadd.s32 $0x88, s3;
	s6 =	simm.s32 @!p1 $0x1082;
	[sflag:s4] =	ssyncset.s32 $0xFFFFF086  }
0x25: {  	[simem:s6], [sflag:s4] =	dma.local [hbm:s3], $0xF7A  }
0x26: {  	[smem:$0x3F9E] =	sst s1;
	(tag) =	ssettag s2;
	_ =	strace s9  }
0x27: {  	s1 =	sld [smem:$0x3FAE]  }
0x28: {  	s2 =	sld [smem:$0x3FAF]  }
0x29: {  	s4 =	sld [smem:$0x3FB1]  }
0x2a: {  	p0 =	seq.s32 s5, $0x0;
	s5 =	sld [smem:$0x3FB2]  }
0x2b: {  	s6 =	sld [smem:$0x3FB3]  }
0x2c: {  	s7 =	sld [smem:$0x3FB4]  }
0x2d: {  	s3 =	simm.s32 $0x108;
	s8 =	sld [smem:$0x3FB5]  }
0x2e: {  	s3 =	simm.s32 @!p0 $0x1082;
	s9 =	sld [smem:$0x3FB6]  }
0x2f: {  	lr =	sadd.s32 s0, s3;
	s0 =	sld [smem:$0x3FAD]  }
0x30: {  	s3 =	sld [smem:$0x3FB0]  }
0x31: {  	[smem:$0x3FB9] =	sst s10  }
0x32: {  	s10 =	sld [smem:$0x3FB7];
	_ =	sdelay $0x3  }
0x33: {  	p0 =	seq.s32 s10, $0x1;
	s10 =	sld [smem:$0x3FB9];
	_ =	sdelay $0x3  }
0x34: {  	[smem:$0x3FB9] =	sst s10  }
0x35: {  	s10 =	sld [smem:$0x3FB8];
	_ =	sdelay $0x3  }
0x36: {  	p1 =	seq.s32 s10, $0x1;
	s10 =	sld [smem:$0x3FB9];
	_ =	sdelay $0x3  }
0x37: {  	[smem:$0x3FB9] =	sst s10  }
0x38: {  	s10 =	sld [smem:$0x3FBA]  }
0x39: {  	_ = 	snop;
	(pc) =	sbr.ind lr, $3  }
0x3a: {  	_ = 	snop  }
0x3b: {  	_ = 	snop  }
0x3c: {  	p2 =	seq.s32 s10, $0x1;
	s10 =	sld [smem:$0x3FB9]  }
0x3d: {  	_ =	shalt  }
0x3e: {  	_ =	shalt  }
0x3f: {  	_ =	shalt  }
0x40: {  	_ =	shalt  }
0x41: {  	_ =	shalt  }
0x42: {  	_ =	shalt  }
0x43: {  	_ =	shalt  }
0x44: {  	_ =	shalt  }
0x45: {  	_ =	shalt  }
0x46: {  	_ =	shalt  }
0x47: {  	_ =	shalt  }
0x48: {  	_ =	shalt  }
0x49: {  	_ =	shalt  }
0x4a: {  	_ =	shalt  }
0x4b: {  	_ =	shalt  }
0x4c: {  	_ =	shalt  }
0x4d: {  	_ =	shalt  }
0x4e: {  	_ =	shalt  }
0x4f: {  	_ =	shalt  }
0x50: {  	_ =	shalt  }
0x51: {  	_ =	shalt  }
0x52: {  	_ =	shalt  }
0x53: {  	_ =	shalt  }
0x54: {  	_ =	shalt  }
0x55: {  	_ =	shalt  }
0x56: {  	_ =	shalt  }
0x57: {  	_ =	shalt  }
0x58: {  	_ =	shalt  }
0x59: {  	_ =	shalt  }
0x5a: {  	_ =	shalt  }
0x5b: {  	_ =	shalt  }
0x5c: {  	_ =	shalt  }
0x5d: {  	_ =	shalt  }
0x5e: {  	_ =	shalt  }
0x5f: {  	_ =	shalt  }
0x60: {  	_ =	shalt  }
0x61: {  	_ =	shalt  }
0x62: {  	_ =	shalt  }
0x63: {  	_ =	shalt  }
0x64: {  	_ =	shalt  }
0x65: {  	_ =	shalt  }
0x66: {  	_ =	shalt  }
0x67: {  	_ =	shalt  }
0x68: {  	_ =	shalt  }
0x69: {  	_ =	shalt  }
0x6a: {  	_ =	shalt  }
0x6b: {  	_ =	shalt  }
0x6c: {  	_ =	shalt  }
0x6d: {  	_ =	shalt  }
0x6e: {  	_ =	shalt  }
0x6f: {  	_ =	shalt  }
0x70: {  	_ =	shalt  }
0x71: {  	_ =	shalt  }
0x72: {  	_ =	shalt  }
0x73: {  	_ =	shalt  }
0x74: {  	_ =	shalt  }
0x75: {  	_ =	shalt  }
0x76: {  	_ =	shalt  }
0x77: {  	_ =	shalt  }
0x78: {  	_ =	shalt  }
0x79: {  	_ =	shalt  }
0x7a: {  	_ =	shalt  }
0x7b: {  	_ =	shalt  }
0x7c: {  	_ =	shalt  }
0x7d: {  	_ =	shalt  }
0x7e: {  	_ =	shalt  }
0x7f: {  	_ =	shalt  }
0x80: {  	_ =	shalt  }
0x81: {  	_ =	shalt  }
0x82: {  	_ =	shalt  }
0x83: {  	_ =	shalt  }
0x84: {  	_ =	shalt  }
0x85: {  	_ =	shalt  }
0x86: {  	_ =	shalt  }
0x87: {  	_ =	shalt  }
.Lfunc_end0:
.L_simem_size_0:
called_computation.1_lowered:
.L_overlay_start_0:
0x88: {  	s2 =	sld [smem:$0x3FD9]  }
0x89: {  	s3 =	sld [smem:$0x3FFE];
	_ =	sdelay $0x1  }
0x8a: {  	s1 =	srdreg.scid  }
0x8b: {  	s0 =	sand.u32 $0x1, s1  }
0x8c: {  	s17 =	sshll.u32 s0, $0xA;
	s2 =	sadd.s32 s3, s2  }
0x8d: {  	s2 =	sadd.s32 s2, s17  }
0x8e: {  	[smem:$0x3FC5] =	sst s2  }
0x8f: {  	_ = 	snop  }
0x90: {  	s2 =	sld [smem:$0x3FC8]  }
0x91: {  	s18 =	sld [smem:$0x3FC7]  }
0x92: {  	s4 =	sld [smem:$0x3FD0];
	(tm) =	ssettm $0x1  }
0x93: {  	s5 =	sld [smem:$0x3FFB];
	_ =	sdelay $0x3  }
0x94: {  	_ =	strace s5  }
0x95: {  	s5 =	sld [smem:$0x3FFC];
	_ =	sdelay $0x3  }
0x96: {  	_ =	strace s5  }
0x97: {  	s5 =	sld [smem:$0x3FFD];
	_ =	sdelay $0x3  }
0x98: {  	_ =	strace s5  }
0x99: {  	_ =	strace $0x8FFFFFFF  }
0x9a: {  	s19 =	sld [smem:$0x3FDB];
	_ =	sdelay $0x1  }
0x9b: {  	s6 =	simm.s32 $_scs_section_size  }
0x9c: {  	s7 =	simm.s32 $_size__tile_overlayer_lowered;
	s8 =	simm.s32 $_tile_overlayer_lowered  }
0x9d: {  	s22 =	simm.s32 $0x1BFF;
	s21 =	sshll.u32 s8, $0x1;
	s5 =	sadd.s32 s6, s19  }
0x9e: {  	s9 =	simm.s32 $0x0;
	s20 =	sshll.u32 s7, $0x1;
	s7 =	sadd.s32 s21, s5  }
0x9f: {  	[timem:s9], [sflag:s22] =	dma.local [hbm:s7], s20  }
0xa0: {  	_ =	swait.ge [sflag:s22], s20  }
0xa1: {  	s6 =	ssub.s32 $0x0, s20;
	[sflag:s22] =	ssyncset.done $0x0  }
0xa2: {  	[sflag:s22] =	ssyncadd.s32 s6;
	_ =	sdelay $0x1  }
0xa3: {  	s23 =	simm.s32 $0x1B8B  }
0xa4: {  	_ =	swait.ge [sflag:s23], $0x1  }
0xa5: {  	[sflag:s23] =	ssyncset.done $0x0  }
0xa6: {  	s25 =	simm.s32 $0x1B8E;
	s24 =	sld [smem:$0x3FFE];
	[sflag:s23] =	ssyncadd.s32 $0xFFFFFFFF  }
0xa7: {  	s26 =	simm.s32 $execute0_lowered;
	[smem:$0x3FD2] =	sst s25  }
0xa8: {  	s7 =	sshll.u32 s26, $0x1;
	_ =	strace $0x80000046;
	[dreg:$0x1] =	wrdreg $0xFFFFFFFF  }
0xa9: {  	s28 =	simm.s32 $_size_execute0_lowered;
	s5 =	sadd.s32 s5, s7;
	[dreg:$0x0] =	wrdreg $0x0  }
0xaa: {  	s7 =	sshll.u32 s28, $0x1;
	[dreg:$0x2] =	wrdreg s5  }
0xab: {  	[dreg:$0x3] =	wrdreg s7  }
0xac: {  	[dreg:$0x4] =	wrdreg $0xC0  }
0xad: {  	_ =	task [dreg:s9], $0x5FFFF  }
0xae: {  	[dreg:$0x1] =	wrdreg $0xFFFFFFFF  }
0xaf: {  	[dreg:$0x0] =	wrdreg $0x60  }
0xb0: {  	[dreg:$0x2] =	wrdreg s24  }
0xb1: {  	[dreg:$0x3] =	wrdreg s2  }
0xb2: {  	[dreg:$0x4] =	wrdreg s18  }
0xb3: {  	[dreg:$0x5] =	wrdreg s4  }
0xb4: {  	[dreg:$0x6] =	wrdreg $0x9  }
0xb5: {  	_ =	task.clear_ibuf [dreg:s9], $0x7FFFF;
	_ =	strace $0x90000046  }
0xb6: {  	s29 =	simm.s32 $0x9;
	_ =	strace $0x80000048  }
0xb7: {  	_ =	swait.ge [sflag:s29], $0x1  }
0xb8: {  	[sflag:s29] =	ssyncadd.s32 $0xFFFFFFFF  }
0xb9: {  	_ =	strace $0x90000048  }
0xba: {  	_ =	sfence  }
0xbb: {  	s30 =	sld [smem:$0x0];
	_ =	sdelay $0x2  }
0xbc: {  	s31 =	sshll.u32 s1, $0xD;
	s1 =	sshrl.u32 s1, $0x2  }
0xbd: {  	s3 =	sand.u32 $0x4000, s31;
	s1 =	sadd.s32 s1, s30  }
0xbe: {  	s0 =	sor.u32 s3, s0;
	s1 =	sshll.u32 s1, $0x11  }
0xbf: {  	s0 =	sor.u32 s1, s0  }
0xc0: {  	s0 =	sadd.s32 $0x8F2B, s0  }
0xc1: {  	[sflag:s0] =	ssyncadd.remote.s32 $0x1  }
0xc2: {  	_ =	sfence.sel $0xFFFF  }
0xc3: {  	[dreg:$0x0] =	wrdreg $0xFFFFFFFF;
	(pc) =	sbr.abs _section_cstart, $3  }
0xc4: {  	[dreg:$0x1] =	wrdreg $0xFFFFFFFF  }
0xc5: {  	_ =	task.clear_ibuf [dreg:s9], $0x2FFFF;
	_ =	strace $0x9FFFFFFF  }
0xc6: {  	(tm) =	ssettm $0x7FFFFFFF  }
0xc7: {  	_ =	shalt  }
tec
execute0_lowered:
.L_overlay_start_1:
0x0: {  	(tag) =	ssettag $0x1  }
0x1: {  	s7 =	rddreg [dreg:$0x0]  }
0x2: {  	s1 =	rddreg [dreg:$0x1]  }
0x3: {  	s2 =	srdreg.scid;
	s3 =	rddreg [dreg:$0x2]  }
0x4: {  	s0 =	stileid.u32;
	s4 =	rddreg [dreg:$0x3];
	s6 =	simm.s32 $0x0  }
0x5: {  	s11 =	simm.s32 $0x80;
	s8 =	sand.u32 $0x1, s2;
	s31 =	sshll.u32 s0, $0x1  }
0x6: {  	s12 =	simm.s32 $0x1980;
	s13 =	simm.s32 $0x5980;
	s2 =	sor.u32 s8, s31  }
0x7: {  	s14 =	simm.s32 $0x1;
	[smem:$0x7FF] =	sst s6;
	s5 =	smul.u32 $0x1900, s2  }
0x8: {  	s15 =	simm.s32 $0x0;
	s8 =	ssub.s32 $0x2, s8;
	s2 =	rddreg [dreg:$0x4]  }
0x9: {  	s10 =	sshrl.u32 s8, $0x1;
	_ =	strace $0x80000047;
	s9 =	sshrl.u32 s5, $0x3  }
0xa: {  	s8 =	ssub.s32 s8, s10;
	s10 =	simm.s32 $0x1900;
	s7 =	sadd.s32 s9, s7  }
0xb: {  	s8 =	smax.u32 s8, $0x1;
	s9 =	simm.s32 $0x2;
	s7 =	sadd.s32 $0x800, s7  }
.LBB2_1:
0xc: {  	[tilespmem:s6], [sflag:$0x2] =	stream.linear.gather [hbm4b:s7+s6], $0x1900, $0x38;
	[tilespmem:$0x9980] =	vst v63  }
0xd: {  	_ =	swait.ge [sflag:s9], $0x1900  }
0xe: {  	[sflag:s9] =	ssyncset.done $0x0  }
0xf: {  	[sflag:s9] =	ssyncadd.s32 $0xFFFFE700  }
0x10: {  	[tilespmem:s10], [sflag:$0x2] =	stream.linear.gather [hbm4b:s3+s6], $0x80, $0x38;
	[tilespmem:$0x9980] =	vst v63  }
0x11: {  	_ =	swait.ge [sflag:s9], $0x80  }
0x12: {  	[sflag:s9] =	ssyncset.done $0x0  }
0x13: {  	[sflag:s9] =	ssyncadd.s32 $0xFFFFFF80  }
0x14: {  	v0 =	vld [tilespmem:$0x1900]  }
0x15: {  	v1 =	vld [tilespmem:$0x1910]  }
0x16: {  	v2 =	vld [tilespmem:$0x1920]  }
0x17: {  	v3 =	vld [tilespmem:$0x1930]  }
0x18: {  	v4 =	vld [tilespmem:$0x1940]  }
0x19: {  	v5 =	vld [tilespmem:$0x1950]  }
0x1a: {  	v6 =	vld [tilespmem:$0x1960]  }
0x1b: {  	s16 =	simm.s32 $0x0;
	v7 =	vld [tilespmem:$0x1970]  }
.LBB2_2:
0x1c: {  	s17 =	sshll.u32 s16, $0x8  }
0x1d: {  	[tilespmem:s12], [sflag:$0x1] =	stream.indirect.gather [hbm4b:s1+s11], $0x80, s17, s11, $0xb8;
	[tilespmem:$0x9980] =	vst v63  }
0x1e: {  	s18 =	sor.u32 $0x80, s17  }
0x1f: {  	[tilespmem:s13], [sflag:$0x1] =	stream.indirect.gather [hbm4b:s1+s11], $0x80, s18, s11, $0xb8;
	[tilespmem:$0x9980] =	vst v63  }
0x20: {  	_ =	swait.ge [sflag:s14], $0x4000  }
0x21: {  	[sflag:s14] =	ssyncset.done $0x0  }
0x22: {  	[sflag:s14] =	ssyncadd.s32 $0xFFFFC000  }
0x23: {  	_ =	swait.ge [sflag:s14], $0x4000  }
0x24: {  	[sflag:s14] =	ssyncset.done $0x0  }
0x25: {  	s18 =	simm.s32 $0x0;
	[sflag:s14] =	ssyncadd.s32 $0xFFFFC000  }
0x26: {  	v11 =	vld [tilespmem:s18+$0x1980]  }
0x27: {  	v13 =	vld [tilespmem:s18+$0x1990]  }
0x28: {  	v12 =	vld [tilespmem:s18+$0x19A0]  }
0x29: {  	v10 =	vld [tilespmem:s18+$0x19B0]  }
0x2a: {  	v8 =	vld [tilespmem:s18+$0x19C0]  }
0x2b: {  	v9 =	vld [tilespmem:s18+$0x19D0];
	v14 =	vmul.f32 v11, v0  }
0x2c: {  	s19 =	simm.s32 $0x200;
	v13 =	vmul.f32 v13, v1;
	v11 =	vld [tilespmem:s18+$0x19E0]  }
.LBB2_3:
0x2d: {  	s20 =	sshra.s32 s19, $0x2;
	p0 =	sne.s32 s19, $0x1FE00;
	[tilespmem:s18+$0x1980] =	vst v14;
	v12 =	vmul.f32 v12, v2;
	v14 =	vld [tilespmem:s18+$0x19F0]  }
0x2e: {  	v15 =	vld [tilespmem:s20+$0x1980];
	[tilespmem:s18+$0x1990] =	vst v13;
	v10 =	vmul.f32 v10, v3  }
0x2f: {  	v13 =	vld [tilespmem:s20+$0x1990];
	[tilespmem:s18+$0x19A0] =	vst v12;
	v8 =	vmul.f32 v8, v4  }
.Ltmp0:
0x30: {  	v12 =	vld [tilespmem:s20+$0x19A0];
	[tilespmem:s18+$0x19B0] =	vst v10;
	v9 =	vmul.f32 v9, v5;
	(pc) =	sbr.rel @p0 .LBB2_3-.Ltmp0, $4  }
0x31: {  	v10 =	vld [tilespmem:s20+$0x19B0];
	[tilespmem:s18+$0x19C0] =	vst v8;
	v11 =	vmul.f32 v11, v6  }
0x32: {  	v8 =	vld [tilespmem:s20+$0x19C0];
	[tilespmem:s18+$0x19D0] =	vst v9;
	v16 =	vmul.f32 v14, v7  }
0x33: {  	v14 =	vmul.f32 v15, v0;
	v9 =	vld [tilespmem:s20+$0x19D0];
	[tilespmem:s18+$0x19E0] =	vst v11  }
0x34: {  	s19 =	sadd.s32 $0x200, s19;
	v13 =	vmul.f32 v13, v1;
	v11 =	vld [tilespmem:s20+$0x19E0];
	[tilespmem:s18+$0x19F0] =	vst v16;
	s18 =	smov.u32 s20  }
0x35: {  	[tilespmem:s18+$0x1980] =	vst v14;
	v12 =	vmul.f32 v12, v2;
	v62 =	vld [tilespmem:s18+$0x19F0]  }
0x36: {  	[tilespmem:s18+$0x1990] =	vst v13;
	v10 =	vmul.f32 v10, v3  }
0x37: {  	[tilespmem:s18+$0x19A0] =	vst v12;
	v8 =	vmul.f32 v8, v4  }
0x38: {  	[tilespmem:s18+$0x19B0] =	vst v10;
	v9 =	vmul.f32 v9, v5  }
0x39: {  	[tilespmem:s18+$0x19C0] =	vst v8;
	v8 =	vmul.f32 v11, v6  }
0x3a: {  	s17 =	sadd.s32 s5, s17;
	s16 =	sadd.s32 $0x1, s16;
	[tilespmem:s18+$0x19D0] =	vst v9;
	v63 =	vmul.f32 v62, v7  }
0x3b: {  	s17 =	sshll.u32 s17, $0x4;
	p0 =	sne.s32 s16, $0x19;
	[tilespmem:s18+$0x19E0] =	vst v8  }
.Ltmp1:
0x3c: {  	s17 =	sadd.s32 s4, s17;
	[tilespmem:s18+$0x19F0] =	vst v63;
	(pc) =	sbr.rel @p0 .LBB2_2-.Ltmp1, $4  }
0x3d: {  	[hbm4b:s17+s6] =	stream.linear.scatter [tilespmem:s12], [sflag:$0x2], $0x8000, $0x38;
	[tilespmem:$0x9980] =	vst v63  }
0x3e: {  	_ =	swait.ge [sflag:s9], $0x8000  }
0x3f: {  	[sflag:s9] =	ssyncset.done $0x0  }
0x40: {  	[sflag:s9] =	ssyncadd.s32 $0xFFFF8000  }
0x41: {  	s15 =	sadd.s32 $0x1, s15  }
0x42: {  	p0 =	sne.s32 s15, s8  }
.Ltmp2:
0x43: {  	_ = 	snop;
	(pc) =	sbr.rel @p0 .LBB2_1-.Ltmp2, $1  }
0x44: {  	_ =	sdelay $0x3  }
0x45: {  	_ =	sfence.sel $0x180000  }
0x46: {  	[bflag:$0x0] =	sbarrier.arrive $0xFFFF  }
0x47: {  	p0 =	sne.s32 s0, $0x0;
	_ =	strace $0x90000047  }
0x48: {  	s0 =	sadd.s32 @!p0 $0x100000, s2;
	[bflag:$0x2] =	sbarrier.arrive $0xFFFF  }
0x49: {  	[sflag:s0] =	ssyncadd.tile.s32 @!p0 $0x1;
	_ =	shalt  }
.Lfunc_end2:
_tile_overlayer_lowered:
.L_overlay_start_2:
0x4a: {  	(tag) =	ssettag $0x2  }
0x4b: {  	s0 =	rddreg [dreg:$0x0];
	s2 =	stileid.u32  }
0x4c: {  	s1 =	rddreg [dreg:$0x1];
	p0 =	sne.s32 s2, $0x0  }
0x4d: {  	s3 =	rddreg [dreg:$0x2];
	[bflag:$0x3] =	sbarrier.arrive $0xFFFF;
	s2 =	simm.s32 @!p0 $0x1C02  }
0x4e: {  	[timem:s3], [sflag:s2] =	dma.local @!p0 [hbm:s0], s1  }
0x4f: {  	s0 =	simm.s32 @!p0 $0x2  }
0x50: {  	_ =	swait.ge @!p0 [sflag:s0], s1  }
0x51: {  	s1 =	ssub.s32 @!p0 $0x0, s1;
	[sflag:s0] =	ssyncset.done @!p0 $0x0  }
0x52: {  	[sflag:s0] =	ssyncadd.s32 @!p0 s1  }
0x53: {  	[bflag:$0x3] =	sbarrier.arrive $0xFFFF  }
0x54: {  	_ =	shalt  }

// kernel: sparse-core-data-format-call.cloned.1.call-start
scs
called_computation_lowered:
.L_overlay_start_0:
0x0: {  	s2 =	sld [smem:$0x3FD9]  }
0x1: {  	s3 =	sld [smem:$0x3FFE];
	_ =	sdelay $0x1  }
0x2: {  	s1 =	srdreg.scid  }
0x3: {  	s0 =	sand.u32 $0x1, s1  }
0x4: {  	s18 =	sshll.u32 s0, $0xA;
	s2 =	sadd.s32 s3, s2  }
0x5: {  	s2 =	sadd.s32 s2, s18  }
0x6: {  	[smem:$0x3FC5] =	sst s2  }
0x7: {  	_ = 	snop  }
0x8: {  	s2 =	sld [smem:$0x3FD0];
	(tm) =	ssettm $0x1  }
0x9: {  	s19 =	sld [smem:$0x3FFB];
	_ =	sdelay $0x3  }
0xa: {  	_ =	strace s19  }
0xb: {  	s3 =	sld [smem:$0x3FFC];
	_ =	sdelay $0x3  }
0xc: {  	_ =	strace s3  }
0xd: {  	s3 =	sld [smem:$0x3FFD];
	_ =	sdelay $0x3  }
0xe: {  	_ =	strace s3  }
0xf: {  	_ =	strace $0x8FFFFFFF  }
0x10: {  	s20 =	sld [smem:$0x3FDB];
	_ =	sdelay $0x1  }
0x11: {  	s4 =	simm.s32 $_scs_section_size  }
0x12: {  	s5 =	simm.s32 $_size__tile_overlayer_lowered;
	s6 =	simm.s32 $_tile_overlayer_lowered  }
0x13: {  	s23 =	simm.s32 $0x1BFF;
	s22 =	sshll.u32 s6, $0x1;
	s3 =	sadd.s32 s4, s20  }
0x14: {  	s7 =	simm.s32 $0x0;
	s21 =	sshll.u32 s5, $0x1;
	s5 =	sadd.s32 s22, s3  }
0x15: {  	[timem:s7], [sflag:s23] =	dma.local [hbm:s5], s21  }
0x16: {  	_ =	swait.ge [sflag:s23], s21  }
0x17: {  	s4 =	ssub.s32 $0x0, s21;
	[sflag:s23] =	ssyncset.done $0x0  }
0x18: {  	[sflag:s23] =	ssyncadd.s32 s4;
	_ =	sdelay $0x1  }
0x19: {  	s24 =	simm.s32 $0x1B8B  }
0x1a: {  	_ =	swait.ge [sflag:s24], $0x1  }
0x1b: {  	[sflag:s24] =	ssyncset.done $0x0  }
0x1c: {  	s26 =	simm.s32 $0x1B8E;
	s25 =	sld [smem:$0x3FFE];
	[sflag:s24] =	ssyncadd.s32 $0xFFFFFFFF  }
0x1d: {  	s27 =	simm.s32 $execute0_lowered;
	[smem:$0x3FD2] =	sst s26  }
0x1e: {  	s5 =	sshll.u32 s27, $0x1;
	_ =	strace $0x80000049;
	[dreg:$0x1] =	wrdreg $0xFFFFFFFF  }
0x1f: {  	s28 =	simm.s32 $_size_execute0_lowered;
	s3 =	sadd.s32 s3, s5;
	[dreg:$0x0] =	wrdreg $0x0  }
0x20: {  	s5 =	sshll.u32 s28, $0x1;
	[dreg:$0x2] =	wrdreg s3  }
0x21: {  	[dreg:$0x3] =	wrdreg s5  }
0x22: {  	[dreg:$0x4] =	wrdreg $0xC0  }
0x23: {  	_ =	task [dreg:s7], $0x5FFFF  }
0x24: {  	[dreg:$0x1] =	wrdreg $0xFFFFFFFF  }
0x25: {  	[dreg:$0x0] =	wrdreg $0x60  }
0x26: {  	[dreg:$0x2] =	wrdreg s25  }
0x27: {  	[dreg:$0x3] =	wrdreg s2  }
0x28: {  	[dreg:$0x4] =	wrdreg $0x9  }
0x29: {  	_ =	task.clear_ibuf [dreg:s7], $0x5FFFF;
	_ =	strace $0x90000049  }
0x2a: {  	s29 =	simm.s32 $0x9;
	_ =	strace $0x8000004B  }
0x2b: {  	_ =	swait.ge [sflag:s29], $0x1  }
0x2c: {  	[sflag:s29] =	ssyncadd.s32 $0xFFFFFFFF  }
0x2d: {  	_ =	strace $0x9000004B  }
0x2e: {  	_ =	sfence  }
0x2f: {  	s30 =	sld [smem:$0x0];
	_ =	sdelay $0x2  }
0x30: {  	s31 =	sshll.u32 s1, $0xD;
	s1 =	sshrl.u32 s1, $0x2  }
0x31: {  	s3 =	sand.u32 $0x4000, s31;
	s1 =	sadd.s32 s1, s30  }
0x32: {  	s0 =	sor.u32 s3, s0;
	s1 =	sshll.u32 s1, $0x11  }
0x33: {  	s0 =	sor.u32 s1, s0  }
0x34: {  	s0 =	sadd.s32 $0x8F2B, s0  }
0x35: {  	[sflag:s0] =	ssyncadd.remote.s32 $0x1  }
0x36: {  	_ =	sfence.sel $0xFFFF  }
0x37: {  	[dreg:$0x0] =	wrdreg $0xFFFFFFFF;
	(pc) =	sbr.abs _section_cstart, $3  }
0x38: {  	[dreg:$0x1] =	wrdreg $0xFFFFFFFF  }
0x39: {  	_ =	task.clear_ibuf [dreg:s7], $0x2FFFF;
	_ =	strace $0x9FFFFFFF  }
0x3a: {  	(tm) =	ssettm $0x7FFFFFFF  }
0x3b: {  	_ =	shalt  }
tec
execute0_lowered:
.L_overlay_start_1:
0x0: {  	(tag) =	ssettag $0x1  }
0x1: {  	s0 =	srdreg.scid  }
0x2: {  	s1 =	sshll.u32 s0, $0x4  }
0x3: {  	s0 =	stileid.u32;
	s1 =	sand.u32 $0x10, s1  }
0x4: {  	s1 =	sor.u32 s0, s1  }
0x5: {  	s6 =	rddreg [dreg:$0x0];
	s4 =	simm.s32 $0x1;
	s2 =	sshll.u32 s1, $0x6  }
0x6: {  	s7 =	simm.s32 $0x2;
	s13 =	simm.s32 $0x0;
	s1 =	ssub.s32 $0x1000, s2  }
0x7: {  	s8 =	simm.s32 $0x2000;
	s9 =	simm.s32 $0x80000;
	s3 =	sand.u32 $0x7C0, s1  }
0x8: {  	s14 =	simm.s32 $0x0;
	s5 =	sshrl.u32 s1, $0xB;
	p0 =	sne.s32 s3, $0x0  }
.Ltmp0:
0x9: {  	s1 =	rddreg [dreg:$0x2];
	s4 =	simm.s32 @!p0 $0x0;
	(pc) =	sbr.rel .LBB1_1-.Ltmp0, $4  }
0xa: {  	s10 =	simm.s32 $0x0;
	s3 =	rddreg [dreg:$0x1];
	s5 =	sadd.s32 s4, s5  }
0xb: {  	_ =	strace $0x8000004A;
	s4 =	simm.s32 $0x1;
	s5 =	smul.u32 $0x19, s5  }
0xc: {  	s12 =	simm.s32 $0x0;
	s6 =	sadd.s32 $0x800, s6;
	[sflag:s4] =	ssyncpa.u1 $0x0  }
0xd: {  	s11 =	smov.u32 s2;
	[sflag:s7] =	ssyncpa.u1 $0x0;
	s7 =	sadd.s32 $0x1, s5  }
.LBB1_7:
0xe: {  	s15 =	sadd.s32 $0x2, s10  }
0xf: {  	s13 =	sadd.s32 $0x800, s11;
	s17 =	smov.u32 s11;
	p1 =	sgt.s32 s15, $0x31  }
0x10: {  	s17 =	smov.u32 @p1 s13  }
0x11: {  	s15 =	simm.s32 @p1 $0x0;
	p1 =	sgt.s32 s17, $0xFFF  }
0x12: {  	s17 =	smov.u32 @p1 s2;
	p1 =	sne.s32 s12, s7  }
.Ltmp1:
0x13: {  	p0 =	slt.u32 s12, $0x2;
	(pc) =	sbr.rel @!p1 .LBB1_8-.Ltmp1, $4  }
0x14: {  	s16 =	simm.s32 @!p0 $0x2  }
0x15: {  	s14 =	smov.u32 s11;
	_ =	swait.ge @!p0 [sflag:s16], $0x4000  }
0x16: {  	s13 =	smov.u32 s10;
	[sflag:s16] =	ssyncset.done @!p0 $0x0;
	s10 =	smov.u32 s15  }
0x17: {  	s12 =	sadd.s32 $0x1, s12;
	[sflag:s16] =	ssyncadd.s32 @!p0 $0xFFFFC000;
	s11 =	smov.u32 s17  }
.LBB1_1:
0x18: {  	p0 =	sge.u32 s12, s5  }
0x19: {  	s15 =	sand.u32 @!p0 $0x1FFFFFF, s10  }
0x1a: {  	s16 =	smulhi.u32 @!p0 $0x4924925, s15;
	_ =	sdelay $0x1  }
0x1b: {  	s16 =	smul.u32 @!p0 $0x38, s16  }
0x1c: {  	s17 =	sxor.u32 @!p0 $0xFFFFFFFF, s12;
	s18 =	smul.u32 @!p0 $0x380, s11  }
0x1d: {  	s31 =	sadd.s32 $0xFFFFFFFF, s12;
	s17 =	sshll.u32 @!p0 s17, $0xE;
	s15 =	ssub.s32 @!p0 s15, s16  }
0x1e: {  	s16 =	sand.u32 @!p0 $0x4000, s17;
	s17 =	sadd.s32 @!p0 s6, s18;
	s15 =	sshll.u32 @!p0 s15, $0x4  }
0x1f: {  	s18 =	simm.s32 @!p0 $0x1C00;
	s15 =	sadd.s32 @!p0 s15, s17;
	s17 =	simm.s32 @!p0 $0x100  }
0x20: {  	[tilespmem:s16], [sflag:$0x1] =	stream.strided.gather @!p0 [hbm4b:s15+s17], $0x4000, s18, s17, $0x38;
	[tilespmem:$0x10000] =	vst v63  }
0x21: {  	p0 =	sge.u32 s31, s5  }
.Ltmp2:
0x22: {  	_ = 	snop;
	(pc) =	sbr.rel @p0 .LBB1_7-.Ltmp2, $1  }
0x23: {  	_ =	sdelay $0x3  }
0x24: {  	_ =	swait.ge [sflag:s4], $0x4000;
	s15 =	sshll.u32 s12, $0xE  }
0x25: {  	[sflag:s4] =	ssyncset.done $0x0;
	s16 =	sand.u32 $0x4000, s15  }
0x26: {  	s17 =	simm.s32 $0x0;
	[sflag:s4] =	ssyncadd.s32 $0xFFFFC000;
	s15 =	sor.u32 $0x8000, s16  }
.LBB1_3:
0x27: {  	s18 =	sshll.u32 s17, $0x8  }
0x28: {  	s18 =	sand.u32 $0x3FFFFF00, s18  }
0x29: {  	s19 =	sshll.u32 s17, $0x7;
	s18 =	sadd.s32 s18, s16  }
0x2a: {  	s19 =	sand.u32 $0x3FFFFF80, s19;
	v0 =	vmov s18  }
0x2b: {  	s19 =	sadd.s32 s19, s15  }
0x2c: {  	p0 =	por $0x1, $0x1;
	v1 =	vmov s19;
	s18 =	simm.s32 $0x0  }
.LBB1_4:
0x2d: {  	s19 =	sshll.u32 s18, $0x7  }
0x2e: {  	s19 =	sand.u32 $0x3FFFFF80, s19  }
0x2f: {  	v2 =	vld.idx.msk [tilespmem:v0+s19+$0x0 ss:$0x1], $0xffff  }
0x30: {  	v3 =	vld.idx.msk [tilespmem:v0+s19+$0x10 ss:$0x1], $0xffff  }
0x31: {  	v4 =	vld.idx.msk [tilespmem:v0+s19+$0x20 ss:$0x1], $0xffff  }
0x32: {  	s31 =	sshll.u32 s18, $0xD;
	v5 =	vld.idx.msk [tilespmem:v0+s19+$0x30 ss:$0x1], $0xffff  }
0x33: {  	s18 =	sand.u32 $0x3FFFE000, s31;
	v6 =	vld.idx.msk [tilespmem:v0+s19+$0x40 ss:$0x1], $0xffff  }
0x34: {  	v63 =	vld.idx.msk [tilespmem:v0+s19+$0x70 ss:$0x1], $0xffff;
	[tilespmem:v1+s18+$0x0 ss:$0x1] =	vst.idx.msk $0xffff, v2  }
0x35: {  	v2 =	vld.idx.msk [tilespmem:v0+s19+$0x50 ss:$0x1], $0xffff;
	[tilespmem:v1+s18+$0x10 ss:$0x1] =	vst.idx.msk $0xffff, v3  }
0x36: {  	p1 =	por p0, p0;
	v3 =	vld.idx.msk [tilespmem:v0+s19+$0x60 ss:$0x1], $0xffff;
	[tilespmem:v1+s18+$0x20 ss:$0x1] =	vst.idx.msk $0xffff, v4  }
.Ltmp3:
0x37: {  	[tilespmem:v1+s18+$0x30 ss:$0x1] =	vst.idx.msk $0xffff, v5;
	(pc) =	sbr.rel @p1 .LBB1_4-.Ltmp3, $4  }
0x38: {  	[tilespmem:v1+s18+$0x40 ss:$0x1] =	vst.idx.msk $0xffff, v6  }
0x39: {  	[tilespmem:v1+s18+$0x70 ss:$0x1] =	vst.idx.msk $0xffff, v63  }
0x3a: {  	[tilespmem:v1+s18+$0x50 ss:$0x1] =	vst.idx.msk $0xffff, v2  }
0x3b: {  	p0 =	por $0x0, $0x0;
	[tilespmem:v1+s18+$0x60 ss:$0x1] =	vst.idx.msk $0xffff, v3;
	s18 =	simm.s32 $0x1  }
0x3c: {  	s17 =	sadd.s32 $0x1, s17  }
0x3d: {  	p0 =	sne.s32 s17, $0x40  }
.Ltmp4:
0x3e: {  	_ = 	snop;
	(pc) =	sbr.rel @p0 .LBB1_3-.Ltmp4, $1  }
0x3f: {  	_ =	sdelay $0x3  }
.Ltmp5:
0x40: {  	s14 =	sshll.u32 s14, $0x4;
	(pc) =	sbr.rel .LBB1_7-.Ltmp5, $4  }
0x41: {  	s14 =	sand.u32 $0xFFF0, s14  }
0x42: {  	s13 =	sshll.u32 s13, $0x10;
	s14 =	sadd.s32 s3, s14  }
0x43: {  	s13 =	sadd.s32 s13, s14  }
0x44: {  	[hbm4b:s13+s8] =	stream.strided.scatter [tilespmem:s15], [sflag:$0x2], $0x4000, s9, s8, $0x38;
	[tilespmem:$0x10000] =	vst v63  }
.LBB1_8:
0x45: {  	_ =	sfence.sel $0x180000  }
0x46: {  	s2 =	simm.s32 $0x1;
	[bflag:$0x0] =	sbarrier.arrive $0xFFFF  }
0x47: {  	s31 =	simm.s32 $0x2;
	[sflag:s2] =	ssyncpa.u1 $0x1  }
0x48: {  	[sflag:s31] =	ssyncpa.u1 $0x1  }
0x49: {  	p0 =	sne.s32 s0, $0x0;
	_ =	strace $0x9000004A  }
0x4a: {  	s0 =	sadd.s32 @!p0 $0x100000, s1;
	[bflag:$0x2] =	sbarrier.arrive $0xFFFF  }
0x4b: {  	[sflag:s0] =	ssyncadd.tile.s32 @!p0 $0x1;
	_ =	shalt  }
.Lfunc_end1:
_tile_overlayer_lowered:
.L_overlay_start_2:
0x4c: {  	(tag) =	ssettag $0x2  }
0x4d: {  	s0 =	rddreg [dreg:$0x0];
	s2 =	stileid.u32  }
0x4e: {  	s1 =	rddreg [dreg:$0x1];
	p0 =	sne.s32 s2, $0x0  }
0x4f: {  	s3 =	rddreg [dreg:$0x2];
	[bflag:$0x3] =	sbarrier.arrive $0xFFFF;
	s2 =	simm.s32 @!p0 $0x1C01  }
0x50: {  	[timem:s3], [sflag:s2] =	dma.local @!p0 [hbm:s0], s1  }
0x51: {  	s0 =	simm.s32 @!p0 $0x1  }
0x52: {  	_ =	swait.ge @!p0 [sflag:s0], s1  }
0x53: {  	s1 =	ssub.s32 @!p0 $0x0, s1;
	[sflag:s0] =	ssyncset.done @!p0 $0x0  }
0x54: {  	[sflag:s0] =	ssyncadd.s32 @!p0 s1  }
0x55: {  	[bflag:$0x3] =	sbarrier.arrive $0xFFFF  }
0x56: {  	_ =	shalt  }

</sc_bundles>
